<compile_context>
chip_gen: v7x
topology: tpu7x:2x2x1
jax: 0.10.2.dev20260603
libtpu: 0.0.44.dev20260713+nightly
codegen_flags: <defaults>
</compile_context>

<pallas_src>
import functools

import jax
import jax.numpy as jnp
from jax import lax
from jax.experimental import pallas as pl
from jax.experimental.pallas import tpu as pltpu
from jax.experimental.pallas import tpu_sc as plsc

_B = 64
_N = 100000
_RG = 8


_GUMBEL_CACHE = []


def _gumbel_const():
    if not _GUMBEL_CACHE:
        g = jax.random.gumbel(jax.random.key(42), (_B, _N), jnp.float32)
        _GUMBEL_CACHE.append(jax.block_until_ready(g))
    return _GUMBEL_CACHE[0]


_P = 4
_W = _N // _P


def _tc_body(*refs):
    lg_refs = refs[:_P]
    gm_refs = refs[_P:2 * _P]
    flat_idx_ref, logp_ref = refs[2 * _P], refs[2 * _P + 1]

    ii = lax.broadcasted_iota(jnp.int32, (_RG, _W), 1)
    m = s = xm = fi = ch = None
    for p in range(_P):
        lg = lg_refs[p][:, 0, 0, :]
        x = lg + gm_refs[p][:, 0, 0, :]
        m_p = jnp.max(lg, axis=1, keepdims=True)
        s_p = jnp.sum(jnp.exp(lg - m_p), axis=1, keepdims=True)
        xm_p = jnp.max(x, axis=1, keepdims=True)
        fi_p = jnp.min(jnp.where(x == xm_p, ii, _W), axis=1, keepdims=True)
        ch_p = jnp.sum(jnp.where(ii == fi_p, lg, 0.0), axis=1, keepdims=True)
        fi_p = fi_p + p * _W
        if p == 0:
            m, s, xm, fi, ch = m_p, s_p, xm_p, fi_p, ch_p
        else:
            better = xm_p > xm
            fi = jnp.where(better, fi_p, fi)
            ch = jnp.where(better, ch_p, ch)
            xm = jnp.maximum(xm, xm_p)
            new_m = jnp.maximum(m, m_p)
            s = s * jnp.exp(m - new_m) + s_p * jnp.exp(m_p - new_m)
            m = new_m
    lse = m + jnp.log(s)
    rows = pl.program_id(0) * _RG + lax.broadcasted_iota(jnp.int32, (_RG, 1), 0)
    flat_idx_ref[...] = jnp.broadcast_to(rows * _N + fi, (_RG, 128))
    logp_ref[...] = jnp.broadcast_to(ch - lse, (_RG, 128))


def _part_spec(p):
    return pl.BlockSpec((_RG, 1, 1, _W), lambda i, p=p: (i, p, 0, 0))


def _tc_stats(logits, gumbel, interpret=False):
    lg3 = logits.reshape(_B, _P, 1, _W)
    gm3 = gumbel.reshape(_B, _P, 1, _W)
    return pl.pallas_call(
        _tc_body,
        interpret=interpret,
        grid=(_B // _RG,),
        in_specs=[_part_spec(p) for p in range(_P)] * 2,
        out_specs=[
            pl.BlockSpec((_RG, 128), lambda i: (i, 0)),
            pl.BlockSpec((_RG, 128), lambda i: (i, 0)),
        ],
        out_shape=[
            jax.ShapeDtypeStruct((_B, 128), jnp.int32),
            jax.ShapeDtypeStruct((_B, 128), jnp.float32),
        ],
    )(*([lg3] * _P + [gm3] * _P))


def _sc_gather_body(flat_hbm, idx_hbm, out_hbm, idx_v, vals_v, sem):
    wid = lax.axis_index("s") * 2 + lax.axis_index("c")

    @pl.when(wid == 0)
    def _():
        pltpu.sync_copy(idx_hbm, idx_v)
        pltpu.async_copy(flat_hbm.at[idx_v], vals_v, sem).wait()
        pltpu.sync_copy(vals_v, out_hbm)


@functools.cache
def _sc_gather():
    return pl.kernel(
        _sc_gather_body,
        out_type=jax.ShapeDtypeStruct((_B,), jnp.int32),
        mesh=plsc.VectorSubcoreMesh(core_axis_name="c", subcore_axis_name="s"),
        scratch_types=[
            pltpu.VMEM((_B,), jnp.int32),
            pltpu.VMEM((_B,), jnp.int32),
            pltpu.SemaphoreType.DMA,
        ],
    )


def kernel(all_logits_list, all_action_inds_list):
    gumbel = _gumbel_const()
    flat_idx, logp = _tc_stats(all_logits_list, gumbel)
    actions = _sc_gather()(all_action_inds_list.reshape(-1), flat_idx[:, 0])
    return actions, logp[:, 0]

# --- scband reference (transcript-rebuilt; emitter-appended) ---
"""Pipeline reference for scband-softmax-random-sample-policy-sparse-7378753814734 (READ-ONLY COPY).

The authoritative reference and input builder live on the scoring server;
editing this copy changes nothing except your own understanding.
"""

import jax, jax.numpy as jnp
import numpy as np

B = 64
N = 100000
AMAX = 1000000

def setup_inputs(seed: int = 0) -> dict:
    key = jax.random.key(seed)
    k1, k2 = jax.random.split(key)
    logits = jax.random.normal(k1, (B, N), dtype=jnp.float32)
    action_inds = jax.random.randint(k2, (B, N), 0, AMAX, dtype=jnp.int64) if jax.config.jax_enable_x64 else jax.random.randint(k2, (B, N), 0, AMAX, dtype=jnp.int32)
    return {"all_logits_list": logits, "all_action_inds_list": action_inds}

def reference(all_logits_list, all_action_inds_list):
    # Vectorized, faithful translation of the per-sample loop:
    # for each row: x = gumbel + logits; out = argmax(x); logp = log_softmax(logits)[out];
    # out_action = action_inds[out]
    gkey = jax.random.key(42)
    gumbel = jax.random.gumbel(gkey, all_logits_list.shape, dtype=all_logits_list.dtype)
    x = gumbel + all_logits_list
    out = jnp.argmax(x, axis=-1)  # [B]
    logsm = jax.nn.log_softmax(all_logits_list, axis=-1)  # [B, N]
    rows = jnp.arange(all_logits_list.shape[0])
    logp = logsm[rows, out]  # [B]
    out_actions = all_action_inds_list[rows, out]  # [B]
    return (out_actions, logp)

if __name__ == "__main__":
    import jax
    _d = setup_inputs()
    print(jax.jit(kernel)(*tuple(_d.values())))

</pallas_src>

<mosaic_0001>
#map = affine_map<(d0, d1) -> (0)>
module attributes {stable_mosaic.version = 14 : i64} {
  func.func @_sc_gather_body(%arg0: i32, %arg1: i32, %arg2: memref<6400000xi32, #tpu.memory_space<hbm>>, %arg3: memref<64xi32, #tpu.memory_space<hbm>>, %arg4: memref<64xi32, #tpu.memory_space<hbm>>, %arg5: memref<64xi32, #tpu.memory_space<vmem>>, %arg6: memref<64xi32, #tpu.memory_space<vmem>>, %arg7: memref<!tpu.dma_semaphore, #tpu.memory_space<semaphore_mem>>) attributes {dimension_semantics = [#tpu.dimension_semantics<core_parallel>, #tpu.dimension_semantics<subcore_parallel>], iteration_bounds = array<i64: 2, 16>, scalar_prefetch = 0 : i64, scratch_operands = 3 : i64, tpu.core_type = #tpu.core_type<sc_vector_subcore>, window_params = [{transform_indices = #map}, {transform_indices = #map}, {transform_indices = #map}]} {
    %mul3A = arith.constant 2 : i32
    %mul3A_0 = arith.muli %arg1, %mul3A : i32
    %add3A = arith.addi %mul3A_0, %arg0 : i32
    %eq3A = arith.constant 0 : i32
    %eq3A_1 = arith.cmpi eq, %add3A, %eq3A : i32
    %convert_element_type3A = arith.extui %eq3A_1 : i1 to i32
    %cond3A = arith.constant 0 : i32
    %cond3A_2 = arith.cmpi ne, %convert_element_type3A, %cond3A : i32
    scf.if %cond3A_2 {
      "tpu.region"() ({
        %run_scoped3A = tpu.sem_alloc : memref<!tpu.dma_semaphore, #tpu.memory_space<semaphore_mem>>
        tpu.enqueue_dma source(%arg3 : memref<64xi32, #tpu.memory_space<hbm>>) target(%arg5 : memref<64xi32, #tpu.memory_space<vmem>>) target_semaphore(%run_scoped3A : memref<!tpu.dma_semaphore, #tpu.memory_space<semaphore_mem>>)
        tpu.wait_dma2 semaphore(%run_scoped3A : memref<!tpu.dma_semaphore, #tpu.memory_space<semaphore_mem>>) src(%arg3 : memref<64xi32, #tpu.memory_space<hbm>>) dst(%arg5 : memref<64xi32, #tpu.memory_space<vmem>>)
        tpu.yield
      }) : () -> ()
      %dma_start3A = arith.constant 0 : i32
      %dma_start3A_3 = tpu.memref_slice %arg2[%dma_start3A] : memref<6400000xi32, #tpu.memory_space<hbm>> -> memref<6400000xi32, #tpu.memory_space<hbm>>
      tpu.enqueue_indirect_dma source(%dma_start3A_3 : memref<6400000xi32, #tpu.memory_space<hbm>>) target(%arg6 : memref<64xi32, #tpu.memory_space<vmem>>) offsets(%arg5 : memref<64xi32, #tpu.memory_space<vmem>>) semaphore(%arg7 : memref<!tpu.dma_semaphore, #tpu.memory_space<semaphore_mem>>)
      %dma_wait3A = arith.constant 0 : i32
      %dma_wait3A_4 = tpu.memref_slice %arg2[%dma_wait3A] : memref<6400000xi32, #tpu.memory_space<hbm>> -> memref<6400000xi32, #tpu.memory_space<hbm>>
      tpu.wait_indirect_dma semaphore(%arg7 : memref<!tpu.dma_semaphore, #tpu.memory_space<semaphore_mem>>) src(%dma_wait3A_4 : memref<6400000xi32, #tpu.memory_space<hbm>>) dst(%arg6 : memref<64xi32, #tpu.memory_space<vmem>>)
      "tpu.region"() ({
        %run_scoped3A = tpu.sem_alloc : memref<!tpu.dma_semaphore, #tpu.memory_space<semaphore_mem>>
        tpu.enqueue_dma source(%arg6 : memref<64xi32, #tpu.memory_space<vmem>>) target(%arg4 : memref<64xi32, #tpu.memory_space<hbm>>) target_semaphore(%run_scoped3A : memref<!tpu.dma_semaphore, #tpu.memory_space<semaphore_mem>>)
        tpu.wait_dma2 semaphore(%run_scoped3A : memref<!tpu.dma_semaphore, #tpu.memory_space<semaphore_mem>>) src(%arg6 : memref<64xi32, #tpu.memory_space<vmem>>) dst(%arg4 : memref<64xi32, #tpu.memory_space<hbm>>)
        tpu.yield
      }) : () -> ()
    } else {
    }
    return
  }
}

module attributes {stable_mosaic.version = 14 : i64} {
  func.func @_tc_body(%arg0: i32, %arg1: memref<8x1x1x25000xf32, #tpu.memory_space<vmem>>, %arg2: memref<8x1x1x25000xf32, #tpu.memory_space<vmem>>, %arg3: memref<8x1x1x25000xf32, #tpu.memory_space<vmem>>, %arg4: memref<8x1x1x25000xf32, #tpu.memory_space<vmem>>, %arg5: memref<8x1x1x25000xf32, #tpu.memory_space<vmem>>, %arg6: memref<8x1x1x25000xf32, #tpu.memory_space<vmem>>, %arg7: memref<8x1x1x25000xf32, #tpu.memory_space<vmem>>, %arg8: memref<8x1x1x25000xf32, #tpu.memory_space<vmem>>, %arg9: memref<8x128xi32, #tpu.memory_space<vmem>>, %arg10: memref<8x128xf32, #tpu.memory_space<vmem>>) attributes {dimension_semantics = [#tpu.dimension_semantics<arbitrary>], iteration_bounds = array<i64: 8>, scalar_prefetch = 0 : i64, scratch_operands = 0 : i64, tpu.core_type = #tpu.core_type<tc>, window_params = [{transform_indices = @transform_0, window_bounds = array<i64: 8, 1, 1, 25000>}, {transform_indices = @transform_1, window_bounds = array<i64: 8, 1, 1, 25000>}, {transform_indices = @transform_2, window_bounds = array<i64: 8, 1, 1, 25000>}, {transform_indices = @transform_3, window_bounds = array<i64: 8, 1, 1, 25000>}, {transform_indices = @transform_4, window_bounds = array<i64: 8, 1, 1, 25000>}, {transform_indices = @transform_5, window_bounds = array<i64: 8, 1, 1, 25000>}, {transform_indices = @transform_6, window_bounds = array<i64: 8, 1, 1, 25000>}, {transform_indices = @transform_7, window_bounds = array<i64: 8, 1, 1, 25000>}, {transform_indices = @transform_8, window_bounds = array<i64: 8, 128>}, {transform_indices = @transform_9, window_bounds = array<i64: 8, 128>}]} {
    %iota3A = tpu.iota {dimensions = array<i32: 1>} : vector<8x25000xi32>
    %get3A = arith.constant 0 : index
    %get3A_0 = arith.constant 0 : index
    %get3A_1 = arith.constant 0 : index
    %get3A_2 = arith.constant 0 : index
    %get3A_3 = vector.load %arg1[%get3A, %get3A_0, %get3A_1, %get3A_2] : memref<8x1x1x25000xf32, #tpu.memory_space<vmem>>, vector<8x1x1x25000xf32>
    %get3A_4 = vector.shape_cast %get3A_3 : vector<8x1x1x25000xf32> to vector<8x25000xf32>
    %get3A_5 = arith.constant 0 : index
    %get3A_6 = arith.constant 0 : index
    %get3A_7 = arith.constant 0 : index
    %get3A_8 = arith.constant 0 : index
    %get3A_9 = vector.load %arg5[%get3A_5, %get3A_6, %get3A_7, %get3A_8] : memref<8x1x1x25000xf32, #tpu.memory_space<vmem>>, vector<8x1x1x25000xf32>
    %get3A_10 = vector.shape_cast %get3A_9 : vector<8x1x1x25000xf32> to vector<8x25000xf32>
    %add3A = arith.addf %get3A_4, %get3A_10 : vector<8x25000xf32>
    %reduce_max3A = arith.constant dense<0xFF800000> : vector<8xf32>
    %reduce_max3A_11 = vector.multi_reduction <maximumf>, %get3A_4, %reduce_max3A [1] : vector<8x25000xf32> to vector<8xf32>
    %broadcast_in_dim3A = vector.shape_cast %reduce_max3A_11 : vector<8xf32> to vector<8x1xf32>
    %sub3A = vector.broadcast %broadcast_in_dim3A : vector<8x1xf32> to vector<8x25000xf32>
    %sub3A_12 = arith.subf %get3A_4, %sub3A : vector<8x25000xf32>
    %exp3A = math.exp %sub3A_12 : vector<8x25000xf32>
    %reduce_sum3A = arith.constant dense<0.000000e+00> : vector<8xf32>
    %reduce_sum3A_13 = vector.multi_reduction <add>, %exp3A, %reduce_sum3A [1] : vector<8x25000xf32> to vector<8xf32>
    %broadcast_in_dim3A_14 = vector.shape_cast %reduce_sum3A_13 : vector<8xf32> to vector<8x1xf32>
    %reduce_max3A_15 = arith.constant dense<0xFF800000> : vector<8xf32>
    %reduce_max3A_16 = vector.multi_reduction <maximumf>, %add3A, %reduce_max3A_15 [1] : vector<8x25000xf32> to vector<8xf32>
    %broadcast_in_dim3A_17 = vector.shape_cast %reduce_max3A_16 : vector<8xf32> to vector<8x1xf32>
    %eq3A = vector.broadcast %broadcast_in_dim3A_17 : vector<8x1xf32> to vector<8x25000xf32>
    %eq3A_18 = arith.cmpf oeq, %add3A, %eq3A : vector<8x25000xf32>
    %jit3A = arith.constant 25000 : i32
    %broadcast_in_dim3A_19 = vector.broadcast %jit3A : i32 to vector<8x25000xi32>
    %select_n3A = arith.select %eq3A_18, %iota3A, %broadcast_in_dim3A_19 : vector<8x25000xi1>, vector<8x25000xi32>
    %reduce_min3A = arith.constant dense<2147483647> : vector<8xi32>
    %reduce_min3A_20 = vector.multi_reduction <minsi>, %select_n3A, %reduce_min3A [1] : vector<8x25000xi32> to vector<8xi32>
    %broadcast_in_dim3A_21 = vector.shape_cast %reduce_min3A_20 : vector<8xi32> to vector<8x1xi32>
    %eq3A_22 = vector.broadcast %broadcast_in_dim3A_21 : vector<8x1xi32> to vector<8x25000xi32>
    %eq3A_23 = arith.cmpi eq, %iota3A, %eq3A_22 : vector<8x25000xi32>
    %jit3A_24 = arith.constant 0.000000e+00 : f32
    %broadcast_in_dim3A_25 = vector.broadcast %jit3A_24 : f32 to vector<8x25000xf32>
    %select_n3A_26 = arith.select %eq3A_23, %get3A_4, %broadcast_in_dim3A_25 : vector<8x25000xi1>, vector<8x25000xf32>
    %reduce_sum3A_27 = arith.constant dense<0.000000e+00> : vector<8xf32>
    %reduce_sum3A_28 = vector.multi_reduction <add>, %select_n3A_26, %reduce_sum3A_27 [1] : vector<8x25000xf32> to vector<8xf32>
    %broadcast_in_dim3A_29 = vector.shape_cast %reduce_sum3A_28 : vector<8xf32> to vector<8x1xf32>
    %add3A_30 = arith.constant 0 : i32
    %add3A_31 = vector.broadcast %add3A_30 : i32 to vector<8x1xi32>
    %add3A_32 = arith.addi %broadcast_in_dim3A_21, %add3A_31 : vector<8x1xi32>
    %get3A_33 = arith.constant 0 : index
    %get3A_34 = arith.constant 0 : index
    %get3A_35 = arith.constant 0 : index
    %get3A_36 = arith.constant 0 : index
    %get3A_37 = vector.load %arg2[%get3A_33, %get3A_34, %get3A_35, %get3A_36] : memref<8x1x1x25000xf32, #tpu.memory_space<vmem>>, vector<8x1x1x25000xf32>
    %get3A_38 = vector.shape_cast %get3A_37 : vector<8x1x1x25000xf32> to vector<8x25000xf32>
    %get3A_39 = arith.constant 0 : index
    %get3A_40 = arith.constant 0 : index
    %get3A_41 = arith.constant 0 : index
    %get3A_42 = arith.constant 0 : index
    %get3A_43 = vector.load %arg6[%get3A_39, %get3A_40, %get3A_41, %get3A_42] : memref<8x1x1x25000xf32, #tpu.memory_space<vmem>>, vector<8x1x1x25000xf32>
    %get3A_44 = vector.shape_cast %get3A_43 : vector<8x1x1x25000xf32> to vector<8x25000xf32>
    %add3A_45 = arith.addf %get3A_38, %get3A_44 : vector<8x25000xf32>
    %reduce_max3A_46 = arith.constant dense<0xFF800000> : vector<8xf32>
    %reduce_max3A_47 = vector.multi_reduction <maximumf>, %get3A_38, %reduce_max3A_46 [1] : vector<8x25000xf32> to vector<8xf32>
    %broadcast_in_dim3A_48 = vector.shape_cast %reduce_max3A_47 : vector<8xf32> to vector<8x1xf32>
    %sub3A_49 = vector.broadcast %broadcast_in_dim3A_48 : vector<8x1xf32> to vector<8x25000xf32>
    %sub3A_50 = arith.subf %get3A_38, %sub3A_49 : vector<8x25000xf32>
    %exp3A_51 = math.exp %sub3A_50 : vector<8x25000xf32>
    %reduce_sum3A_52 = arith.constant dense<0.000000e+00> : vector<8xf32>
    %reduce_sum3A_53 = vector.multi_reduction <add>, %exp3A_51, %reduce_sum3A_52 [1] : vector<8x25000xf32> to vector<8xf32>
    %broadcast_in_dim3A_54 = vector.shape_cast %reduce_sum3A_53 : vector<8xf32> to vector<8x1xf32>
    %reduce_max3A_55 = arith.constant dense<0xFF800000> : vector<8xf32>
    %reduce_max3A_56 = vector.multi_reduction <maximumf>, %add3A_45, %reduce_max3A_55 [1] : vector<8x25000xf32> to vector<8xf32>
    %broadcast_in_dim3A_57 = vector.shape_cast %reduce_max3A_56 : vector<8xf32> to vector<8x1xf32>
    %eq3A_58 = vector.broadcast %broadcast_in_dim3A_57 : vector<8x1xf32> to vector<8x25000xf32>
    %eq3A_59 = arith.cmpf oeq, %add3A_45, %eq3A_58 : vector<8x25000xf32>
    %jit3A_60 = arith.constant 25000 : i32
    %broadcast_in_dim3A_61 = vector.broadcast %jit3A_60 : i32 to vector<8x25000xi32>
    %select_n3A_62 = arith.select %eq3A_59, %iota3A, %broadcast_in_dim3A_61 : vector<8x25000xi1>, vector<8x25000xi32>
    %reduce_min3A_63 = arith.constant dense<2147483647> : vector<8xi32>
    %reduce_min3A_64 = vector.multi_reduction <minsi>, %select_n3A_62, %reduce_min3A_63 [1] : vector<8x25000xi32> to vector<8xi32>
    %broadcast_in_dim3A_65 = vector.shape_cast %reduce_min3A_64 : vector<8xi32> to vector<8x1xi32>
    %eq3A_66 = vector.broadcast %broadcast_in_dim3A_65 : vector<8x1xi32> to vector<8x25000xi32>
    %eq3A_67 = arith.cmpi eq, %iota3A, %eq3A_66 : vector<8x25000xi32>
    %jit3A_68 = arith.constant 0.000000e+00 : f32
    %broadcast_in_dim3A_69 = vector.broadcast %jit3A_68 : f32 to vector<8x25000xf32>
    %select_n3A_70 = arith.select %eq3A_67, %get3A_38, %broadcast_in_dim3A_69 : vector<8x25000xi1>, vector<8x25000xf32>
    %reduce_sum3A_71 = arith.constant dense<0.000000e+00> : vector<8xf32>
    %reduce_sum3A_72 = vector.multi_reduction <add>, %select_n3A_70, %reduce_sum3A_71 [1] : vector<8x25000xf32> to vector<8xf32>
    %broadcast_in_dim3A_73 = vector.shape_cast %reduce_sum3A_72 : vector<8xf32> to vector<8x1xf32>
    %add3A_74 = arith.constant 25000 : i32
    %add3A_75 = vector.broadcast %add3A_74 : i32 to vector<8x1xi32>
    %add3A_76 = arith.addi %broadcast_in_dim3A_65, %add3A_75 : vector<8x1xi32>
    %gt3A = arith.cmpf ogt, %broadcast_in_dim3A_57, %broadcast_in_dim3A_17 : vector<8x1xf32>
    %select_n3A_77 = arith.select %gt3A, %add3A_76, %add3A_32 : vector<8x1xi1>, vector<8x1xi32>
    %select_n3A_78 = arith.select %gt3A, %broadcast_in_dim3A_73, %broadcast_in_dim3A_29 : vector<8x1xi1>, vector<8x1xf32>
    %max3A = arith.maximumf %broadcast_in_dim3A_17, %broadcast_in_dim3A_57 : vector<8x1xf32>
    %max3A_79 = arith.maximumf %broadcast_in_dim3A, %broadcast_in_dim3A_48 : vector<8x1xf32>
    %sub3A_80 = arith.subf %broadcast_in_dim3A, %max3A_79 : vector<8x1xf32>
    %exp3A_81 = math.exp %sub3A_80 : vector<8x1xf32>
    %mul3A = arith.mulf %broadcast_in_dim3A_14, %exp3A_81 : vector<8x1xf32>
    %sub3A_82 = arith.subf %broadcast_in_dim3A_48, %max3A_79 : vector<8x1xf32>
    %exp3A_83 = math.exp %sub3A_82 : vector<8x1xf32>
    %mul3A_84 = arith.mulf %broadcast_in_dim3A_54, %exp3A_83 : vector<8x1xf32>
    %add3A_85 = arith.addf %mul3A, %mul3A_84 : vector<8x1xf32>
    %get3A_86 = arith.constant 0 : index
    %get3A_87 = arith.constant 0 : index
    %get3A_88 = arith.constant 0 : index
    %get3A_89 = arith.constant 0 : index
    %get3A_90 = vector.load %arg3[%get3A_86, %get3A_87, %get3A_88, %get3A_89] : memref<8x1x1x25000xf32, #tpu.memory_space<vmem>>, vector<8x1x1x25000xf32>
    %get3A_91 = vector.shape_cast %get3A_90 : vector<8x1x1x25000xf32> to vector<8x25000xf32>
    %get3A_92 = arith.constant 0 : index
    %get3A_93 = arith.constant 0 : index
    %get3A_94 = arith.constant 0 : index
    %get3A_95 = arith.constant 0 : index
    %get3A_96 = vector.load %arg7[%get3A_92, %get3A_93, %get3A_94, %get3A_95] : memref<8x1x1x25000xf32, #tpu.memory_space<vmem>>, vector<8x1x1x25000xf32>
    %get3A_97 = vector.shape_cast %get3A_96 : vector<8x1x1x25000xf32> to vector<8x25000xf32>
    %add3A_98 = arith.addf %get3A_91, %get3A_97 : vector<8x25000xf32>
    %reduce_max3A_99 = arith.constant dense<0xFF800000> : vector<8xf32>
    %reduce_max3A_100 = vector.multi_reduction <maximumf>, %get3A_91, %reduce_max3A_99 [1] : vector<8x25000xf32> to vector<8xf32>
    %broadcast_in_dim3A_101 = vector.shape_cast %reduce_max3A_100 : vector<8xf32> to vector<8x1xf32>
    %sub3A_102 = vector.broadcast %broadcast_in_dim3A_101 : vector<8x1xf32> to vector<8x25000xf32>
    %sub3A_103 = arith.subf %get3A_91, %sub3A_102 : vector<8x25000xf32>
    %exp3A_104 = math.exp %sub3A_103 : vector<8x25000xf32>
    %reduce_sum3A_105 = arith.constant dense<0.000000e+00> : vector<8xf32>
    %reduce_sum3A_106 = vector.multi_reduction <add>, %exp3A_104, %reduce_sum3A_105 [1] : vector<8x25000xf32> to vector<8xf32>
    %broadcast_in_dim3A_107 = vector.shape_cast %reduce_sum3A_106 : vector<8xf32> to vector<8x1xf32>
    %reduce_max3A_108 = arith.constant dense<0xFF800000> : vector<8xf32>
    %reduce_max3A_109 = vector.multi_reduction <maximumf>, %add3A_98, %reduce_max3A_108 [1] : vector<8x25000xf32> to vector<8xf32>
    %broadcast_in_dim3A_110 = vector.shape_cast %reduce_max3A_109 : vector<8xf32> to vector<8x1xf32>
    %eq3A_111 = vector.broadcast %broadcast_in_dim3A_110 : vector<8x1xf32> to vector<8x25000xf32>
    %eq3A_112 = arith.cmpf oeq, %add3A_98, %eq3A_111 : vector<8x25000xf32>
    %jit3A_113 = arith.constant 25000 : i32
    %broadcast_in_dim3A_114 = vector.broadcast %jit3A_113 : i32 to vector<8x25000xi32>
    %select_n3A_115 = arith.select %eq3A_112, %iota3A, %broadcast_in_dim3A_114 : vector<8x25000xi1>, vector<8x25000xi32>
    %reduce_min3A_116 = arith.constant dense<2147483647> : vector<8xi32>
    %reduce_min3A_117 = vector.multi_reduction <minsi>, %select_n3A_115, %reduce_min3A_116 [1] : vector<8x25000xi32> to vector<8xi32>
    %broadcast_in_dim3A_118 = vector.shape_cast %reduce_min3A_117 : vector<8xi32> to vector<8x1xi32>
    %eq3A_119 = vector.broadcast %broadcast_in_dim3A_118 : vector<8x1xi32> to vector<8x25000xi32>
    %eq3A_120 = arith.cmpi eq, %iota3A, %eq3A_119 : vector<8x25000xi32>
    %jit3A_121 = arith.constant 0.000000e+00 : f32
    %broadcast_in_dim3A_122 = vector.broadcast %jit3A_121 : f32 to vector<8x25000xf32>
    %select_n3A_123 = arith.select %eq3A_120, %get3A_91, %broadcast_in_dim3A_122 : vector<8x25000xi1>, vector<8x25000xf32>
    %reduce_sum3A_124 = arith.constant dense<0.000000e+00> : vector<8xf32>
    %reduce_sum3A_125 = vector.multi_reduction <add>, %select_n3A_123, %reduce_sum3A_124 [1] : vector<8x25000xf32> to vector<8xf32>
    %broadcast_in_dim3A_126 = vector.shape_cast %reduce_sum3A_125 : vector<8xf32> to vector<8x1xf32>
    %add3A_127 = arith.constant 50000 : i32
    %add3A_128 = vector.broadcast %add3A_127 : i32 to vector<8x1xi32>
    %add3A_129 = arith.addi %broadcast_in_dim3A_118, %add3A_128 : vector<8x1xi32>
    %gt3A_130 = arith.cmpf ogt, %broadcast_in_dim3A_110, %max3A : vector<8x1xf32>
    %select_n3A_131 = arith.select %gt3A_130, %add3A_129, %select_n3A_77 : vector<8x1xi1>, vector<8x1xi32>
    %select_n3A_132 = arith.select %gt3A_130, %broadcast_in_dim3A_126, %select_n3A_78 : vector<8x1xi1>, vector<8x1xf32>
    %max3A_133 = arith.maximumf %max3A, %broadcast_in_dim3A_110 : vector<8x1xf32>
    %max3A_134 = arith.maximumf %max3A_79, %broadcast_in_dim3A_101 : vector<8x1xf32>
    %sub3A_135 = arith.subf %max3A_79, %max3A_134 : vector<8x1xf32>
    %exp3A_136 = math.exp %sub3A_135 : vector<8x1xf32>
    %mul3A_137 = arith.mulf %add3A_85, %exp3A_136 : vector<8x1xf32>
    %sub3A_138 = arith.subf %broadcast_in_dim3A_101, %max3A_134 : vector<8x1xf32>
    %exp3A_139 = math.exp %sub3A_138 : vector<8x1xf32>
    %mul3A_140 = arith.mulf %broadcast_in_dim3A_107, %exp3A_139 : vector<8x1xf32>
    %add3A_141 = arith.addf %mul3A_137, %mul3A_140 : vector<8x1xf32>
    %get3A_142 = arith.constant 0 : index
    %get3A_143 = arith.constant 0 : index
    %get3A_144 = arith.constant 0 : index
    %get3A_145 = arith.constant 0 : index
    %get3A_146 = vector.load %arg4[%get3A_142, %get3A_143, %get3A_144, %get3A_145] : memref<8x1x1x25000xf32, #tpu.memory_space<vmem>>, vector<8x1x1x25000xf32>
    %get3A_147 = vector.shape_cast %get3A_146 : vector<8x1x1x25000xf32> to vector<8x25000xf32>
    %get3A_148 = arith.constant 0 : index
    %get3A_149 = arith.constant 0 : index
    %get3A_150 = arith.constant 0 : index
    %get3A_151 = arith.constant 0 : index
    %get3A_152 = vector.load %arg8[%get3A_148, %get3A_149, %get3A_150, %get3A_151] : memref<8x1x1x25000xf32, #tpu.memory_space<vmem>>, vector<8x1x1x25000xf32>
    %get3A_153 = vector.shape_cast %get3A_152 : vector<8x1x1x25000xf32> to vector<8x25000xf32>
    %add3A_154 = arith.addf %get3A_147, %get3A_153 : vector<8x25000xf32>
    %reduce_max3A_155 = arith.constant dense<0xFF800000> : vector<8xf32>
    %reduce_max3A_156 = vector.multi_reduction <maximumf>, %get3A_147, %reduce_max3A_155 [1] : vector<8x25000xf32> to vector<8xf32>
    %broadcast_in_dim3A_157 = vector.shape_cast %reduce_max3A_156 : vector<8xf32> to vector<8x1xf32>
    %sub3A_158 = vector.broadcast %broadcast_in_dim3A_157 : vector<8x1xf32> to vector<8x25000xf32>
    %sub3A_159 = arith.subf %get3A_147, %sub3A_158 : vector<8x25000xf32>
    %exp3A_160 = math.exp %sub3A_159 : vector<8x25000xf32>
    %reduce_sum3A_161 = arith.constant dense<0.000000e+00> : vector<8xf32>
    %reduce_sum3A_162 = vector.multi_reduction <add>, %exp3A_160, %reduce_sum3A_161 [1] : vector<8x25000xf32> to vector<8xf32>
    %broadcast_in_dim3A_163 = vector.shape_cast %reduce_sum3A_162 : vector<8xf32> to vector<8x1xf32>
    %reduce_max3A_164 = arith.constant dense<0xFF800000> : vector<8xf32>
    %reduce_max3A_165 = vector.multi_reduction <maximumf>, %add3A_154, %reduce_max3A_164 [1] : vector<8x25000xf32> to vector<8xf32>
    %broadcast_in_dim3A_166 = vector.shape_cast %reduce_max3A_165 : vector<8xf32> to vector<8x1xf32>
    %eq3A_167 = vector.broadcast %broadcast_in_dim3A_166 : vector<8x1xf32> to vector<8x25000xf32>
    %eq3A_168 = arith.cmpf oeq, %add3A_154, %eq3A_167 : vector<8x25000xf32>
    %jit3A_169 = arith.constant 25000 : i32
    %broadcast_in_dim3A_170 = vector.broadcast %jit3A_169 : i32 to vector<8x25000xi32>
    %select_n3A_171 = arith.select %eq3A_168, %iota3A, %broadcast_in_dim3A_170 : vector<8x25000xi1>, vector<8x25000xi32>
    %reduce_min3A_172 = arith.constant dense<2147483647> : vector<8xi32>
    %reduce_min3A_173 = vector.multi_reduction <minsi>, %select_n3A_171, %reduce_min3A_172 [1] : vector<8x25000xi32> to vector<8xi32>
    %broadcast_in_dim3A_174 = vector.shape_cast %reduce_min3A_173 : vector<8xi32> to vector<8x1xi32>
    %eq3A_175 = vector.broadcast %broadcast_in_dim3A_174 : vector<8x1xi32> to vector<8x25000xi32>
    %eq3A_176 = arith.cmpi eq, %iota3A, %eq3A_175 : vector<8x25000xi32>
    %jit3A_177 = arith.constant 0.000000e+00 : f32
    %broadcast_in_dim3A_178 = vector.broadcast %jit3A_177 : f32 to vector<8x25000xf32>
    %select_n3A_179 = arith.select %eq3A_176, %get3A_147, %broadcast_in_dim3A_178 : vector<8x25000xi1>, vector<8x25000xf32>
    %reduce_sum3A_180 = arith.constant dense<0.000000e+00> : vector<8xf32>
    %reduce_sum3A_181 = vector.multi_reduction <add>, %select_n3A_179, %reduce_sum3A_180 [1] : vector<8x25000xf32> to vector<8xf32>
    %broadcast_in_dim3A_182 = vector.shape_cast %reduce_sum3A_181 : vector<8xf32> to vector<8x1xf32>
    %add3A_183 = arith.constant 75000 : i32
    %add3A_184 = vector.broadcast %add3A_183 : i32 to vector<8x1xi32>
    %add3A_185 = arith.addi %broadcast_in_dim3A_174, %add3A_184 : vector<8x1xi32>
    %gt3A_186 = arith.cmpf ogt, %broadcast_in_dim3A_166, %max3A_133 : vector<8x1xf32>
    %select_n3A_187 = arith.select %gt3A_186, %add3A_185, %select_n3A_131 : vector<8x1xi1>, vector<8x1xi32>
    %select_n3A_188 = arith.select %gt3A_186, %broadcast_in_dim3A_182, %select_n3A_132 : vector<8x1xi1>, vector<8x1xf32>
    %max3A_189 = arith.maximumf %max3A_134, %broadcast_in_dim3A_157 : vector<8x1xf32>
    %sub3A_190 = arith.subf %max3A_134, %max3A_189 : vector<8x1xf32>
    %exp3A_191 = math.exp %sub3A_190 : vector<8x1xf32>
    %mul3A_192 = arith.mulf %add3A_141, %exp3A_191 : vector<8x1xf32>
    %sub3A_193 = arith.subf %broadcast_in_dim3A_157, %max3A_189 : vector<8x1xf32>
    %exp3A_194 = math.exp %sub3A_193 : vector<8x1xf32>
    %mul3A_195 = arith.mulf %broadcast_in_dim3A_163, %exp3A_194 : vector<8x1xf32>
    %add3A_196 = arith.addf %mul3A_192, %mul3A_195 : vector<8x1xf32>
    %log3A = math.log %add3A_196 : vector<8x1xf32>
    %add3A_197 = arith.addf %max3A_189, %log3A : vector<8x1xf32>
    %mul3A_198 = arith.constant 8 : i32
    %mul3A_199 = arith.muli %arg0, %mul3A_198 : i32
    %iota3A_200 = tpu.iota {dimensions = array<i32: 0>} : vector<8x1xi32>
    %add3A_201 = vector.broadcast %mul3A_199 : i32 to vector<8x1xi32>
    %add3A_202 = arith.addi %add3A_201, %iota3A_200 : vector<8x1xi32>
    %mul3A_203 = arith.constant 100000 : i32
    %mul3A_204 = vector.broadcast %mul3A_203 : i32 to vector<8x1xi32>
    %mul3A_205 = arith.muli %add3A_202, %mul3A_204 : vector<8x1xi32>
    %add3A_206 = arith.addi %mul3A_205, %select_n3A_187 : vector<8x1xi32>
    %broadcast_in_dim3A_207 = vector.shape_cast %add3A_206 : vector<8x1xi32> to vector<8x1xi32>
    %broadcast_in_dim3A_208 = vector.broadcast %broadcast_in_dim3A_207 : vector<8x1xi32> to vector<8x128xi32>
    %swap3A = arith.constant 0 : index
    %swap3A_209 = arith.constant 0 : index
    %swap3A_210 = vector.load %arg9[%swap3A, %swap3A_209] : memref<8x128xi32, #tpu.memory_space<vmem>>, vector<8x128xi32>
    tpu.vector_store %arg9[%swap3A, %swap3A_209], %broadcast_in_dim3A_208 {strides = array<i32>} : memref<8x128xi32, #tpu.memory_space<vmem>>, vector<8x128xi32>,
    %sub3A_211 = arith.subf %select_n3A_188, %add3A_197 : vector<8x1xf32>
    %broadcast_in_dim3A_212 = vector.shape_cast %sub3A_211 : vector<8x1xf32> to vector<8x1xf32>
    %broadcast_in_dim3A_213 = vector.broadcast %broadcast_in_dim3A_212 : vector<8x1xf32> to vector<8x128xf32>
    %swap3A_214 = arith.constant 0 : index
    %swap3A_215 = arith.constant 0 : index
    %swap3A_216 = vector.load %arg10[%swap3A_214, %swap3A_215] : memref<8x128xf32, #tpu.memory_space<vmem>>, vector<8x128xf32>
    tpu.vector_store %arg10[%swap3A_214, %swap3A_215], %broadcast_in_dim3A_213 {strides = array<i32>} : memref<8x128xf32, #tpu.memory_space<vmem>>, vector<8x128xf32>,
    return
  }
  func.func @transform_0(%arg0: i32) -> (i32, i32, i32, i32) {
    %c0_i32 = arith.constant 0 : i32
    %c0_i32_0 = arith.constant 0 : i32
    %c0_i32_1 = arith.constant 0 : i32
    %c0_i32_2 = arith.constant 0 : i32
    return %arg0, %c0_i32, %c0_i32_0, %c0_i32_1 : i32, i32, i32, i32
  }
  func.func @transform_1(%arg0: i32) -> (i32, i32, i32, i32) {
    %c1_i32 = arith.constant 1 : i32
    %c0_i32 = arith.constant 0 : i32
    %c0_i32_0 = arith.constant 0 : i32
    %c0_i32_1 = arith.constant 0 : i32
    return %arg0, %c1_i32, %c0_i32, %c0_i32_0 : i32, i32, i32, i32
  }
  func.func @transform_2(%arg0: i32) -> (i32, i32, i32, i32) {
    %c2_i32 = arith.constant 2 : i32
    %c0_i32 = arith.constant 0 : i32
    %c0_i32_0 = arith.constant 0 : i32
    %c0_i32_1 = arith.constant 0 : i32
    return %arg0, %c2_i32, %c0_i32, %c0_i32_0 : i32, i32, i32, i32
  }
  func.func @transform_3(%arg0: i32) -> (i32, i32, i32, i32) {
    %c3_i32 = arith.constant 3 : i32
    %c0_i32 = arith.constant 0 : i32
    %c0_i32_0 = arith.constant 0 : i32
    %c0_i32_1 = arith.constant 0 : i32
    return %arg0, %c3_i32, %c0_i32, %c0_i32_0 : i32, i32, i32, i32
  }
  func.func @transform_4(%arg0: i32) -> (i32, i32, i32, i32) {
    %c0_i32 = arith.constant 0 : i32
    %c0_i32_0 = arith.constant 0 : i32
    %c0_i32_1 = arith.constant 0 : i32
    %c0_i32_2 = arith.constant 0 : i32
    return %arg0, %c0_i32, %c0_i32_0, %c0_i32_1 : i32, i32, i32, i32
  }
  func.func @transform_5(%arg0: i32) -> (i32, i32, i32, i32) {
    %c1_i32 = arith.constant 1 : i32
    %c0_i32 = arith.constant 0 : i32
    %c0_i32_0 = arith.constant 0 : i32
    %c0_i32_1 = arith.constant 0 : i32
    return %arg0, %c1_i32, %c0_i32, %c0_i32_0 : i32, i32, i32, i32
  }
  func.func @transform_6(%arg0: i32) -> (i32, i32, i32, i32) {
    %c2_i32 = arith.constant 2 : i32
    %c0_i32 = arith.constant 0 : i32
    %c0_i32_0 = arith.constant 0 : i32
    %c0_i32_1 = arith.constant 0 : i32
    return %arg0, %c2_i32, %c0_i32, %c0_i32_0 : i32, i32, i32, i32
  }
  func.func @transform_7(%arg0: i32) -> (i32, i32, i32, i32) {
    %c3_i32 = arith.constant 3 : i32
    %c0_i32 = arith.constant 0 : i32
    %c0_i32_0 = arith.constant 0 : i32
    %c0_i32_1 = arith.constant 0 : i32
    return %arg0, %c3_i32, %c0_i32, %c0_i32_0 : i32, i32, i32, i32
  }
  func.func @transform_8(%arg0: i32) -> (i32, i32) {
    %c0_i32 = arith.constant 0 : i32
    %c0_i32_0 = arith.constant 0 : i32
    return %arg0, %c0_i32 : i32, i32
  }
  func.func @transform_9(%arg0: i32) -> (i32, i32) {
    %c0_i32 = arith.constant 0 : i32
    %c0_i32_0 = arith.constant 0 : i32
    return %arg0, %c0_i32 : i32, i32
  }
}

</mosaic_0001>

<sc_bundles>
// kernel: kernel.4.cloned.1.call-start
scs
__scs_entry_jumppad:
0x0: {  	(pc) =	sbr.rel $0x88, $3  }
0x1: {  	(tag) =	ssettag $0x0;
	lr =	simm.s32 $0x1  }
0x2: {  	[smem:$0x3F9F] =	sst lr;
	_ =	strace $0xD0000000  }
0x3: {  	_ = 	snop  }
0x4: {  	_ = 	snop  }
0x5: {  	_ = 	snop  }
0x6: {  	_ = 	snop  }
0x7: {  	_ = 	snop  }
__scs_overlays_trampoline_lowered:
0x8: {  	[smem:$0x3FAE] =	sst s0  }
0x9: {  	[smem:$0x3FAF] =	sst s1  }
0xa: {  	[smem:$0x3FB0] =	sst s2  }
0xb: {  	[smem:$0x3FB1] =	sst s3  }
0xc: {  	[smem:$0x3FB2] =	sst s4  }
0xd: {  	[smem:$0x3FB3] =	sst s5  }
0xe: {  	[smem:$0x3FB4] =	sst s6  }
0xf: {  	[smem:$0x3FB5] =	sst s7  }
0x10: {  	[smem:$0x3FB6] =	sst s8  }
0x11: {  	[smem:$0x3FB7] =	sst s9;
	s0 =	simm.s32 @!p0 $0x0  }
0x12: {  	s1 =	sld [smem:$0x3F9D];
	s0 =	simm.s32 @p0 $0x1  }
0x13: {  	[smem:$0x3FB8] =	sst s0;
	s0 =	simm.s32 @!p1 $0x0  }
0x14: {  	s2 =	sld [smem:$0x3F9C];
	s0 =	simm.s32 @p1 $0x1  }
0x15: {  	[smem:$0x3FB9] =	sst s0;
	s0 =	simm.s32 @!p2 $0x0  }
0x16: {  	s3 =	sld [smem:$0x3FDB];
	s0 =	simm.s32 @p2 $0x1  }
0x17: {  	s4 =	simm.s32 $0x1BF5;
	[smem:$0x3FBB] =	sst s0  }
0x18: {  	s0 =	sld [smem:$0x3F9E];
	_ =	swait.ge [sflag:s4], $0x0  }
0x19: {  	s7 =	sld [smem:$0x3F9F]  }
0x1a: {  	s8 =	sadd.s32 $0xFFFFE003, lr  }
0x1b: {  	s9 =	sadd.s32 $0xFFFFFEF7, lr;
	s5 =	simm.s32 $0xFFFFFFFF;
	p2 =	slt.u32 s8, $0xFFFFF086  }
0x1c: {  	p1 =	slt.u32 s9, $0xF7A;
	s5 =	simm.s32 @!p2 $0x0  }
0x1d: {  	s5 =	simm.s32 @p1 $0x1;
	p0 =	seq.s32 s7, s2  }
0x1e: {  	s7 =	smul.u32 @!p0 $0xF7A, s2;
	p2 =	seq.s32 @!p0 s5, $0x0  }
0x1f: {  	s9 =	smul.u32 $0xF7A, s1;
	s8 =	simm.s32 @!p0 $0x1BF5;
	p2 =	por !p2, p0  }
0x20: {  	[sflag:s8] =	ssyncset.s32 @!p0 $0xFFFFF086;
	s6 =	sadd.s32 @!p0 s3, s7;
	s7 =	simm.s32 @!p0 $0x108  }
0x21: {  	s3 =	sadd.s32 s3, s9;
	s6 =	sadd.s32 @!p0 $0x88, s6;
	s7 =	simm.s32 @p2 $0x1082  }
0x22: {  	[simem:s7], [sflag:s8] =	dma.local @!p0 [hbm:s6], $0xF7A  }
0x23: {  	s9 =	sor.u32 $0xD0000000, s2;
	s6 =	simm.s32 $0x108;
	_ =	swait.ge @!p0 [sflag:s8], $0x0  }
0x24: {  	s3 =	sadd.s32 $0x88, s3;
	s6 =	simm.s32 @!p1 $0x1082;
	[sflag:s4] =	ssyncset.s32 $0xFFFFF086  }
0x25: {  	[simem:s6], [sflag:s4] =	dma.local [hbm:s3], $0xF7A  }
0x26: {  	[smem:$0x3F9F] =	sst s1;
	(tag) =	ssettag s2;
	_ =	strace s9  }
0x27: {  	s1 =	sld [smem:$0x3FAF]  }
0x28: {  	s2 =	sld [smem:$0x3FB0]  }
0x29: {  	s4 =	sld [smem:$0x3FB2]  }
0x2a: {  	p0 =	seq.s32 s5, $0x0;
	s5 =	sld [smem:$0x3FB3]  }
0x2b: {  	s6 =	sld [smem:$0x3FB4]  }
0x2c: {  	s7 =	sld [smem:$0x3FB5]  }
0x2d: {  	s3 =	simm.s32 $0x108;
	s8 =	sld [smem:$0x3FB6]  }
0x2e: {  	s3 =	simm.s32 @!p0 $0x1082;
	s9 =	sld [smem:$0x3FB7]  }
0x2f: {  	lr =	sadd.s32 s0, s3;
	s0 =	sld [smem:$0x3FAE]  }
0x30: {  	s3 =	sld [smem:$0x3FB1]  }
0x31: {  	[smem:$0x3FBA] =	sst s10  }
0x32: {  	s10 =	sld [smem:$0x3FB8];
	_ =	sdelay $0x3  }
0x33: {  	p0 =	seq.s32 s10, $0x1;
	s10 =	sld [smem:$0x3FBA];
	_ =	sdelay $0x3  }
0x34: {  	[smem:$0x3FBA] =	sst s10  }
0x35: {  	s10 =	sld [smem:$0x3FB9];
	_ =	sdelay $0x3  }
0x36: {  	p1 =	seq.s32 s10, $0x1;
	s10 =	sld [smem:$0x3FBA];
	_ =	sdelay $0x3  }
0x37: {  	[smem:$0x3FBA] =	sst s10  }
0x38: {  	s10 =	sld [smem:$0x3FBB]  }
0x39: {  	_ = 	snop;
	(pc) =	sbr.ind lr, $3  }
0x3a: {  	_ = 	snop  }
0x3b: {  	_ = 	snop  }
0x3c: {  	p2 =	seq.s32 s10, $0x1;
	s10 =	sld [smem:$0x3FBA]  }
0x3d: {  	_ =	shalt  }
0x3e: {  	_ =	shalt  }
0x3f: {  	_ =	shalt  }
0x40: {  	_ =	shalt  }
0x41: {  	_ =	shalt  }
0x42: {  	_ =	shalt  }
0x43: {  	_ =	shalt  }
0x44: {  	_ =	shalt  }
0x45: {  	_ =	shalt  }
0x46: {  	_ =	shalt  }
0x47: {  	_ =	shalt  }
0x48: {  	_ =	shalt  }
0x49: {  	_ =	shalt  }
0x4a: {  	_ =	shalt  }
0x4b: {  	_ =	shalt  }
0x4c: {  	_ =	shalt  }
0x4d: {  	_ =	shalt  }
0x4e: {  	_ =	shalt  }
0x4f: {  	_ =	shalt  }
0x50: {  	_ =	shalt  }
0x51: {  	_ =	shalt  }
0x52: {  	_ =	shalt  }
0x53: {  	_ =	shalt  }
0x54: {  	_ =	shalt  }
0x55: {  	_ =	shalt  }
0x56: {  	_ =	shalt  }
0x57: {  	_ =	shalt  }
0x58: {  	_ =	shalt  }
0x59: {  	_ =	shalt  }
0x5a: {  	_ =	shalt  }
0x5b: {  	_ =	shalt  }
0x5c: {  	_ =	shalt  }
0x5d: {  	_ =	shalt  }
0x5e: {  	_ =	shalt  }
0x5f: {  	_ =	shalt  }
0x60: {  	_ =	shalt  }
0x61: {  	_ =	shalt  }
0x62: {  	_ =	shalt  }
0x63: {  	_ =	shalt  }
0x64: {  	_ =	shalt  }
0x65: {  	_ =	shalt  }
0x66: {  	_ =	shalt  }
0x67: {  	_ =	shalt  }
0x68: {  	_ =	shalt  }
0x69: {  	_ =	shalt  }
0x6a: {  	_ =	shalt  }
0x6b: {  	_ =	shalt  }
0x6c: {  	_ =	shalt  }
0x6d: {  	_ =	shalt  }
0x6e: {  	_ =	shalt  }
0x6f: {  	_ =	shalt  }
0x70: {  	_ =	shalt  }
0x71: {  	_ =	shalt  }
0x72: {  	_ =	shalt  }
0x73: {  	_ =	shalt  }
0x74: {  	_ =	shalt  }
0x75: {  	_ =	shalt  }
0x76: {  	_ =	shalt  }
0x77: {  	_ =	shalt  }
0x78: {  	_ =	shalt  }
0x79: {  	_ =	shalt  }
0x7a: {  	_ =	shalt  }
0x7b: {  	_ =	shalt  }
0x7c: {  	_ =	shalt  }
0x7d: {  	_ =	shalt  }
0x7e: {  	_ =	shalt  }
0x7f: {  	_ =	shalt  }
0x80: {  	_ =	shalt  }
0x81: {  	_ =	shalt  }
0x82: {  	_ =	shalt  }
0x83: {  	_ =	shalt  }
0x84: {  	_ =	shalt  }
0x85: {  	_ =	shalt  }
0x86: {  	_ =	shalt  }
0x87: {  	_ =	shalt  }
.Lfunc_end0:
.L_simem_size_0:
called_computation_lowered:
.L_overlay_start_0:
0x88: {  	s2 =	sld [smem:$0x3FD9]  }
0x89: {  	s3 =	sld [smem:$0x3FFE];
	_ =	sdelay $0x1  }
0x8a: {  	s1 =	srdreg.scid  }
0x8b: {  	s0 =	sand.u32 $0x1, s1  }
0x8c: {  	s14 =	sshll.u32 s0, $0xA;
	s2 =	sadd.s32 s3, s2  }
0x8d: {  	s2 =	sadd.s32 s2, s14  }
0x8e: {  	[smem:$0x3FC6] =	sst s2  }
0x8f: {  	_ = 	snop  }
0x90: {  	s2 =	sld [smem:$0x3FD0];
	_ =	sdelay $0x2  }
0x91: {  	s15 =	simm.s32 $0xA;
	s4 =	simm.s32 $0x10  }
0x92: {  	[smem:s4], [sflag:s15] =	dma.local [hbm:s2], $0x1  }
0x93: {  	_ =	swait.eq [sflag:s15], $0x1  }
0x94: {  	[sflag:s15] =	ssyncset.done $0x0  }
0x95: {  	[sflag:s15] =	ssyncadd.s32 $0xFFFFFFFF  }
0x96: {  	s16 =	sld [smem:$0x10];
	(tm) =	ssettm $0x1  }
0x97: {  	s17 =	sld [smem:$0x3FFB];
	_ =	sdelay $0x3  }
0x98: {  	_ =	strace s17  }
0x99: {  	s3 =	sld [smem:$0x3FFC];
	_ =	sdelay $0x3  }
0x9a: {  	_ =	strace s3  }
0x9b: {  	s3 =	sld [smem:$0x3FFD];
	_ =	sdelay $0x3  }
0x9c: {  	_ =	strace s3  }
0x9d: {  	_ =	strace $0x8FFFFFFF  }
0x9e: {  	s18 =	sld [smem:$0x3FDB];
	_ =	sdelay $0x1  }
0x9f: {  	s19 =	simm.s32 $_scs_section_size  }
0xa0: {  	s5 =	simm.s32 $_size__tile_overlayer_lowered;
	s6 =	simm.s32 $_tile_overlayer_lowered  }
0xa1: {  	s22 =	simm.s32 $0x1BFF;
	s21 =	sshll.u32 s6, $0x1;
	s3 =	sadd.s32 s19, s18  }
0xa2: {  	s7 =	simm.s32 $0x0;
	s20 =	sshll.u32 s5, $0x1;
	s5 =	sadd.s32 s21, s3  }
0xa3: {  	[timem:s7], [sflag:s22] =	dma.local [hbm:s5], s20  }
0xa4: {  	_ =	swait.ge [sflag:s22], s20  }
0xa5: {  	s4 =	ssub.s32 $0x0, s20;
	[sflag:s22] =	ssyncset.done $0x0  }
0xa6: {  	[sflag:s22] =	ssyncadd.s32 s4;
	_ =	sdelay $0x1  }
0xa7: {  	s23 =	simm.s32 $0x1B8B  }
0xa8: {  	_ =	swait.ge [sflag:s23], $0x1  }
0xa9: {  	[sflag:s23] =	ssyncset.done $0x0  }
0xaa: {  	s25 =	simm.s32 $0x1B8E;
	s24 =	sld [smem:$0x3FFE];
	[sflag:s23] =	ssyncadd.s32 $0xFFFFFFFF  }
0xab: {  	s26 =	simm.s32 $execute0_lowered;
	[smem:$0x3FD2] =	sst s25  }
0xac: {  	s5 =	sshll.u32 s26, $0x1;
	_ =	strace $0x80000046;
	[dreg:$0x1] =	wrdreg $0xFFFFFFFF  }
0xad: {  	s28 =	simm.s32 $_size_execute0_lowered;
	s3 =	sadd.s32 s3, s5;
	[dreg:$0x0] =	wrdreg $0x0  }
0xae: {  	s5 =	sshll.u32 s28, $0x1;
	[dreg:$0x2] =	wrdreg s3  }
0xaf: {  	[dreg:$0x3] =	wrdreg s5  }
0xb0: {  	[dreg:$0x4] =	wrdreg $0xC0  }
0xb1: {  	_ =	task [dreg:s7], $0x5FFFF  }
0xb2: {  	[dreg:$0x1] =	wrdreg $0xFFFFFFFF  }
0xb3: {  	[dreg:$0x0] =	wrdreg $0x60  }
0xb4: {  	[dreg:$0x2] =	wrdreg s24  }
0xb5: {  	[dreg:$0x3] =	wrdreg s16  }
0xb6: {  	[dreg:$0x4] =	wrdreg $0x9  }
0xb7: {  	_ =	task.clear_ibuf [dreg:s7], $0x5FFFF;
	_ =	strace $0x90000046  }
0xb8: {  	s29 =	simm.s32 $0x9;
	_ =	strace $0x80000048  }
0xb9: {  	_ =	swait.ge [sflag:s29], $0x1  }
0xba: {  	[sflag:s29] =	ssyncadd.s32 $0xFFFFFFFF  }
0xbb: {  	_ =	strace $0x90000048  }
0xbc: {  	_ =	sfence  }
0xbd: {  	s30 =	sld [smem:$0x0];
	_ =	sdelay $0x2  }
0xbe: {  	s31 =	sshll.u32 s1, $0xD;
	s1 =	sshrl.u32 s1, $0x2  }
0xbf: {  	s3 =	sand.u32 $0x4000, s31;
	s1 =	sadd.s32 s1, s30  }
0xc0: {  	s0 =	sor.u32 s3, s0;
	s1 =	sshll.u32 s1, $0x11  }
0xc1: {  	s0 =	sor.u32 s1, s0  }
0xc2: {  	s0 =	sadd.s32 $0x8F2B, s0  }
0xc3: {  	[sflag:s0] =	ssyncadd.remote.s32 $0x1  }
0xc4: {  	_ =	sfence.sel $0xFFFF  }
0xc5: {  	[dreg:$0x0] =	wrdreg $0xFFFFFFFF;
	(pc) =	sbr.abs _section_cstart, $3  }
0xc6: {  	[dreg:$0x1] =	wrdreg $0xFFFFFFFF  }
0xc7: {  	_ =	task.clear_ibuf [dreg:s7], $0x2FFFF;
	_ =	strace $0x9FFFFFFF  }
0xc8: {  	(tm) =	ssettm $0x7FFFFFFF  }
0xc9: {  	_ =	shalt  }
tec
execute0_lowered:
.L_overlay_start_1:
0x0: {  	(tag) =	ssettag $0x1  }
0x1: {  	s0 =	srdreg.scid  }
0x2: {  	s7 =	sand.u32 $0x1, s0;
	s0 =	stileid.u32  }
0x3: {  	s3 =	sshll.u32 s0, $0x1;
	s4 =	ssub.s32 $0x0, s7  }
0x4: {  	p0 =	sne.s32 s3, s4  }
.Ltmp0:
0x5: {  	_ = 	snop;
	(pc) =	sbr.rel @p0 .LBB2_4-.Ltmp0, $4  }
0x6: {  	_ = 	snop  }
0x7: {  	s6 =	rddreg [dreg:$0x0]  }
0x8: {  	s2 =	rddreg [dreg:$0x1]  }
0x9: {  	s1 =	rddreg [dreg:$0x2];
	_ =	strace $0x80000047  }
0xa: {  	s3 =	sadd.s32 $0x1A00, s6;
	s5 =	simm.s32 $0x0  }
0xb: {  	s4 =	simm.s32 $0x2;
	s6 =	sadd.s32 $0x1C00, s6;
	s10 =	ssub.s32 $0x2, s7  }
0xc: {  	[tilespmem:s5], [sflag:$0x2] =	stream.linear.gather [hbm4b:s3+s5], $0x80, $0x38;
	[tilespmem:$0x100] =	vst v63  }
0xd: {  	s7 =	simm.s32 $0x40;
	s11 =	sshrl.u32 s10, $0x1;
	_ =	swait.ge [sflag:s4], $0x80  }
0xe: {  	s8 =	simm.s32 $0x80;
	s10 =	ssub.s32 s10, s11;
	[sflag:s4] =	ssyncset.done $0x0  }
0xf: {  	s9 =	simm.s32 $0x1;
	s10 =	smax.u32 s10, $0x1;
	[sflag:s4] =	ssyncadd.s32 $0xFFFFFF80  }
0x10: {  	[tilespmem:s8], [sflag:$0x1] =	stream.indirect.gather [hbm4b:s6+s7], $0x1, s5, s7, $0xb8;
	[tilespmem:$0x100] =	vst v63  }
0x11: {  	p0 =	sne.s32 s10, $0x1;
	_ =	swait.ge [sflag:s9], $0x40  }
.Ltmp1:
0x12: {  	[sflag:s9] =	ssyncset.done $0x0;
	(pc) =	sbr.rel @!p0 .LBB2_3-.Ltmp1, $4  }
0x13: {  	[sflag:s9] =	ssyncadd.s32 $0xFFFFFFC0  }
0x14: {  	[hbm4b:s2+s5] =	stream.linear.scatter [tilespmem:s8], [sflag:$0x2], $0x80, $0x38;
	[tilespmem:$0x100] =	vst v63  }
0x15: {  	_ =	swait.ge [sflag:s4], $0x80  }
0x16: {  	s10 =	sadd.s32 $0xFFFFFFFF, s10;
	[sflag:s4] =	ssyncset.done $0x0  }
.LBB2_2:
0x17: {  	p0 =	sne.s32 s10, $0x1;
	s10 =	sadd.s32 $0xFFFFFFFF, s10;
	[sflag:s4] =	ssyncadd.s32 $0xFFFFFF80  }
0x18: {  	[tilespmem:s5], [sflag:$0x2] =	stream.linear.gather [hbm4b:s3+s5], $0x80, $0x38;
	[tilespmem:$0x100] =	vst v63  }
0x19: {  	_ =	swait.ge [sflag:s4], $0x80  }
0x1a: {  	[sflag:s4] =	ssyncset.done $0x0  }
0x1b: {  	[sflag:s4] =	ssyncadd.s32 $0xFFFFFF80  }
0x1c: {  	[tilespmem:s8], [sflag:$0x1] =	stream.indirect.gather [hbm4b:s6+s7], $0x1, s5, s7, $0xb8;
	[tilespmem:$0x100] =	vst v63  }
0x1d: {  	_ =	swait.ge [sflag:s9], $0x40  }
.Ltmp2:
0x1e: {  	[sflag:s9] =	ssyncset.done $0x0;
	(pc) =	sbr.rel @p0 .LBB2_2-.Ltmp2, $4  }
0x1f: {  	[sflag:s9] =	ssyncadd.s32 $0xFFFFFFC0  }
0x20: {  	[hbm4b:s2+s5] =	stream.linear.scatter [tilespmem:s8], [sflag:$0x2], $0x80, $0x38;
	[tilespmem:$0x100] =	vst v63  }
0x21: {  	_ =	swait.ge [sflag:s4], $0x80  }
0x22: {  	[sflag:s4] =	ssyncset.done $0x0  }
.LBB2_3:
0x23: {  	[sflag:s4] =	ssyncadd.s32 $0xFFFFFF80  }
.LBB2_4:
0x24: {  	_ =	sfence.sel $0x180000  }
0x25: {  	[bflag:$0x0] =	sbarrier.arrive $0xFFFF  }
0x26: {  	p0 =	sne.s32 s0, $0x0;
	_ =	strace $0x90000047  }
0x27: {  	s0 =	sadd.s32 @!p0 $0x100000, s1;
	[bflag:$0x2] =	sbarrier.arrive $0xFFFF  }
0x28: {  	[sflag:s0] =	ssyncadd.tile.s32 @!p0 $0x1;
	_ =	shalt  }
.Lfunc_end2:
_tile_overlayer_lowered:
.L_overlay_start_2:
0x29: {  	(tag) =	ssettag $0x2  }
0x2a: {  	s0 =	rddreg [dreg:$0x0];
	s2 =	stileid.u32  }
0x2b: {  	s1 =	rddreg [dreg:$0x1];
	p0 =	sne.s32 s2, $0x0  }
0x2c: {  	s3 =	rddreg [dreg:$0x2];
	[bflag:$0x3] =	sbarrier.arrive $0xFFFF;
	s2 =	simm.s32 @!p0 $0x1C02  }
0x2d: {  	[timem:s3], [sflag:s2] =	dma.local @!p0 [hbm:s0], s1  }
0x2e: {  	s0 =	simm.s32 @!p0 $0x2  }
0x2f: {  	_ =	swait.ge @!p0 [sflag:s0], s1  }
0x30: {  	s1 =	ssub.s32 @!p0 $0x0, s1;
	[sflag:s0] =	ssyncset.done @!p0 $0x0  }
0x31: {  	[sflag:s0] =	ssyncadd.s32 @!p0 s1  }
0x32: {  	[bflag:$0x3] =	sbarrier.arrive $0xFFFF  }
0x33: {  	_ =	shalt  }

</sc_bundles>
